<compile_context>
chip_gen: v7x
topology: tpu7x:2x2x1
jax: 0.10.2.dev20260603
libtpu: 0.0.44.dev20260713+nightly
codegen_flags: <defaults>
</compile_context>

<pallas_src>
import functools

import jax
import jax.numpy as jnp
from jax import lax
from jax.experimental import pallas as pl
from jax.experimental.pallas import tpu as pltpu
from jax.experimental.pallas import tpu_sc as plsc

_B = 4096
_V = 100000
_L = 16

_NS = 16
_BPW = _B // _NS
_NCH = _BPW // 128
_GROUPS = 128 // _L

_ITILES = _B // 128


def _sc_gather_mean(flat, target):
  mesh = plsc.VectorSubcoreMesh(
      core_axis_name="c", subcore_axis_name="s", num_cores=1)

  @functools.partial(
      pl.kernel,
      mesh=mesh,
      compiler_params=pltpu.CompilerParams(needs_layout_passes=False),
      out_type=(
          jax.ShapeDtypeStruct((_NS, _L), jnp.float32),
          jax.ShapeDtypeStruct((_L,), jnp.float32),
      ),
      scratch_types=[
          pltpu.VMEM((_BPW,), jnp.int32),
          pltpu.VMEM((_NCH, 128), jnp.int32),
          pltpu.VMEM((_NCH, 128), jnp.float32),
          pltpu.VMEM((_L,), jnp.float32),
          pltpu.VMEM((_NS, _L), jnp.float32),
          pltpu.SemaphoreType.DMA,
      ],
  )
  def sc_kernel(flat_hbm, tgt_hbm, stage_hbm, out_hbm,
                tgt_v, idx_v, vals_v, acc_v, all_v, sem):
    sid = lax.axis_index("s")
    base = sid * _BPW

    pltpu.sync_copy(tgt_hbm.at[pl.ds(base, _BPW)], tgt_v)

    lane_iota = lax.iota(jnp.int32, _L)

    def idx_body(g, _):
      o = g * _L
      j = tgt_v[pl.ds(o, _L)]
      i = (base + o) + lane_iota
      blk = lax.shift_right_logical(j, 3) * _ITILES + lax.shift_right_logical(i, 7)
      sub = lax.shift_left(lax.bitwise_and(j, 7), 7) + lax.bitwise_and(i, 127)
      idx_v[lax.div(g, _GROUPS), pl.ds(lax.rem(g, _GROUPS) * _L, _L)] = (
          lax.shift_left(blk, 10) + sub)
      return 0

    lax.fori_loop(0, _NCH * _GROUPS, idx_body, 0)

    copies = [
        pltpu.async_copy(flat_hbm.at[idx_v.at[k]], vals_v.at[k], sem)
        for k in range(_NCH)
    ]
    for c in copies:
      c.wait()

    def sum_body(g, acc):
      return acc + vals_v[lax.div(g, _GROUPS), pl.ds(lax.rem(g, _GROUPS) * _L, _L)]

    acc = lax.fori_loop(0, _NCH * _GROUPS, sum_body, jnp.zeros((_L,), jnp.float32))
    acc_v[...] = acc

    pltpu.sync_copy(acc_v, stage_hbm.at[sid])
    plsc.subcore_barrier()

    @pl.when(sid == 0)
    def _():
      pltpu.sync_copy(stage_hbm, all_v)
      tot = jnp.zeros((_L,), jnp.float32)
      for r in range(_NS):
        tot = tot + all_v[r]
      s = lax.reduce_sum(tot, axes=(0,))
      acc_v[...] = jax.lax.broadcast(s * (-1.0 / _B), (_L,))
      pltpu.sync_copy(acc_v, out_hbm)

  return sc_kernel(flat, target)


def kernel(input, target):
  flat = (
      input.T.reshape(_V // 8, 8, _ITILES, 128)
      .transpose(0, 2, 1, 3)
      .reshape(_B * _V)
  )
  tgt = target.astype(jnp.int32)
  _, final = _sc_gather_mean(flat, tgt)
  return final[0]

# --- scband reference (transcript-rebuilt; emitter-appended) ---
"""Pipeline reference for scband-target-logit-38500086841705 (READ-ONLY COPY).

The authoritative reference and input builder live on the scoring server;
editing this copy changes nothing except your own understanding.
"""

import jax, jax.numpy as jnp
import numpy as np


def setup_inputs(seed: int = 0) -> dict:
    key = jax.random.key(seed)
    k1, k2 = jax.random.split(key)
    input = jax.random.normal(k1, (4096, 100000), dtype=jnp.float32)
    target = jax.random.randint(k2, (4096,), 0, 100000, dtype=jnp.int64)
    return {"input": input, "target": target}


def reference(input, target):
    # -torch.gather(input, dim=1, index=target.view(-1, 1)).mean()
    gathered = jnp.take_along_axis(input, target.reshape(-1, 1), axis=1)
    return -gathered.mean()

if __name__ == "__main__":
    import jax
    _d = setup_inputs()
    print(jax.jit(kernel)(*tuple(_d.values())))

</pallas_src>

<mosaic_0001>
#map = affine_map<(d0, d1) -> (0)>
#map1 = affine_map<(d0, d1) -> (0, 0)>
module attributes {stable_mosaic.version = 14 : i64} {
  func.func @sc_kernel(%arg0: i32, %arg1: i32, %arg2: memref<409600000xf32, #tpu.memory_space<hbm>>, %arg3: memref<4096xi32, #tpu.memory_space<hbm>>, %arg4: memref<16x16xf32, #tpu.memory_space<hbm>>, %arg5: memref<16xf32, #tpu.memory_space<hbm>>, %arg6: memref<256xi32, #tpu.memory_space<vmem>>, %arg7: memref<2x128xi32, #tpu.memory_space<vmem>>, %arg8: memref<2x128xf32, #tpu.memory_space<vmem>>, %arg9: memref<16xf32, #tpu.memory_space<vmem>>, %arg10: memref<16x16xf32, #tpu.memory_space<vmem>>, %arg11: memref<!tpu.dma_semaphore, #tpu.memory_space<semaphore_mem>>) attributes {dimension_semantics = [#tpu.dimension_semantics<core_parallel>, #tpu.dimension_semantics<subcore_parallel>], iteration_bounds = array<i64: 1, 16>, scalar_prefetch = 0 : i64, scratch_operands = 6 : i64, tpu.core_type = #tpu.core_type<sc_vector_subcore>, window_params = [{transform_indices = #map}, {transform_indices = #map}, {transform_indices = #map1}, {transform_indices = #map}]} {
    %mul3A = arith.constant 256 : i32
    %mul3A_0 = arith.muli %arg1, %mul3A : i32
    "tpu.region"() ({
      %run_scoped3A = tpu.sem_alloc : memref<!tpu.dma_semaphore, #tpu.memory_space<semaphore_mem>>
      %dma_start3A_55 = tpu.memref_slice %arg3[%mul3A_0] : memref<4096xi32, #tpu.memory_space<hbm>> -> memref<256xi32, #tpu.memory_space<hbm>>
      %dma_start3A_56 = tpu.memref_slice %arg3[%mul3A_0] : memref<4096xi32, #tpu.memory_space<hbm>> -> memref<256xi32, #tpu.memory_space<hbm>>
      tpu.enqueue_dma source(%dma_start3A_56 : memref<256xi32, #tpu.memory_space<hbm>>) target(%arg6 : memref<256xi32, #tpu.memory_space<vmem>>) target_semaphore(%run_scoped3A : memref<!tpu.dma_semaphore, #tpu.memory_space<semaphore_mem>>)
      %dma_wait3A_57 = tpu.memref_slice %arg3[%mul3A_0] : memref<4096xi32, #tpu.memory_space<hbm>> -> memref<256xi32, #tpu.memory_space<hbm>>
      %dma_wait3A_58 = tpu.memref_slice %arg3[%mul3A_0] : memref<4096xi32, #tpu.memory_space<hbm>> -> memref<256xi32, #tpu.memory_space<hbm>>
      tpu.wait_dma2 semaphore(%run_scoped3A : memref<!tpu.dma_semaphore, #tpu.memory_space<semaphore_mem>>) src(%dma_wait3A_58 : memref<256xi32, #tpu.memory_space<hbm>>) dst(%arg6 : memref<256xi32, #tpu.memory_space<vmem>>)
      tpu.yield
    }) : () -> ()
    %iota3A = tpu.iota {dimensions = array<i32: 0>} : vector<16xi32>
    %scan3A = arith.constant 0 : i32
    %scan3A_1 = arith.constant 0 : i32
    %scan3A_2 = arith.constant 16 : i32
    %scan3A_3 = arith.addi %scan3A_1, %scan3A_2 : i32
    %scan3A_4 = arith.constant 1 : i32
    %scan3A_5 = scf.for %scan3A_55 = %scan3A_1 to %scan3A_3 step %scan3A_4 iter_args(%scan3A_56 = %scan3A) -> (i32)  : i32 {
      %mul3A_57 = arith.constant 16 : i32
      %mul3A_58 = arith.muli %scan3A_55, %mul3A_57 : i32
      %get3A = arith.index_cast %mul3A_58 : i32 to index
      %get3A_59 = tpu.vector_load %arg6[%get3A] {strides = array<i32>} : memref<256xi32, #tpu.memory_space<vmem>>, vector<16xi32>,
      %add3A = arith.addi %mul3A_0, %mul3A_58 : i32
      %add3A_60 = vector.broadcast %add3A : i32 to vector<16xi32>
      %add3A_61 = arith.addi %add3A_60, %iota3A : vector<16xi32>
      %shift_right_logical3A = arith.constant 3 : i32
      %shift_right_logical3A_62 = vector.broadcast %shift_right_logical3A : i32 to vector<16xi32>
      %shift_right_logical3A_63 = arith.shrui %get3A_59, %shift_right_logical3A_62 : vector<16xi32>
      %mul3A_64 = arith.constant 32 : i32
      %mul3A_65 = vector.broadcast %mul3A_64 : i32 to vector<16xi32>
      %mul3A_66 = arith.muli %shift_right_logical3A_63, %mul3A_65 : vector<16xi32>
      %shift_right_logical3A_67 = arith.constant 7 : i32
      %shift_right_logical3A_68 = vector.broadcast %shift_right_logical3A_67 : i32 to vector<16xi32>
      %shift_right_logical3A_69 = arith.shrui %add3A_61, %shift_right_logical3A_68 : vector<16xi32>
      %add3A_70 = arith.addi %mul3A_66, %shift_right_logical3A_69 : vector<16xi32>
      %and3A = arith.constant 7 : i32
      %and3A_71 = vector.broadcast %and3A : i32 to vector<16xi32>
      %and3A_72 = arith.andi %get3A_59, %and3A_71 : vector<16xi32>
      %shift_left3A = arith.constant 7 : i32
      %shift_left3A_73 = vector.broadcast %shift_left3A : i32 to vector<16xi32>
      %shift_left3A_74 = arith.shli %and3A_72, %shift_left3A_73 : vector<16xi32>
      %and3A_75 = arith.constant 127 : i32
      %and3A_76 = vector.broadcast %and3A_75 : i32 to vector<16xi32>
      %and3A_77 = arith.andi %add3A_61, %and3A_76 : vector<16xi32>
      %add3A_78 = arith.addi %shift_left3A_74, %and3A_77 : vector<16xi32>
      %shift_left3A_79 = arith.constant 10 : i32
      %shift_left3A_80 = vector.broadcast %shift_left3A_79 : i32 to vector<16xi32>
      %shift_left3A_81 = arith.shli %add3A_70, %shift_left3A_80 : vector<16xi32>
      %add3A_82 = arith.addi %shift_left3A_81, %add3A_78 : vector<16xi32>
      %div3A = arith.constant 8 : i32
      %div3A_83 = arith.divsi %scan3A_55, %div3A : i32
      %rem3A = arith.constant 8 : i32
      %rem3A_84 = arith.remsi %scan3A_55, %rem3A : i32
      %mul3A_85 = arith.constant 16 : i32
      %mul3A_86 = arith.muli %rem3A_84, %mul3A_85 : i32
      %swap3A_87 = arith.index_cast %div3A_83 : i32 to index
      %swap3A_88 = arith.index_cast %mul3A_86 : i32 to index
      %swap3A_89 = tpu.vector_load %arg7[%swap3A_87, %swap3A_88] {strides = array<i32>} : memref<2x128xi32, #tpu.memory_space<vmem>>, vector<16xi32>,
      tpu.vector_store %arg7[%swap3A_87, %swap3A_88], %add3A_82 {strides = array<i32>} : memref<2x128xi32, #tpu.memory_space<vmem>>, vector<16xi32>,
      %scan3A_90 = arith.constant 0 : i32
      scf.yield %scan3A_90 : i32
    }
    %scan3A_6 = arith.constant 16 : i32
    %dma_start3A = arith.constant 0 : i32
    %dma_start3A_7 = arith.constant 0 : i32
    %dma_start3A_8 = arith.constant 0 : i32
    %dma_start3A_9 = tpu.memref_slice %arg8[%dma_start3A_7, %dma_start3A_8] : memref<2x128xf32, #tpu.memory_space<vmem>> -> memref<1x128xf32, #tpu.memory_space<vmem>>
    %dma_start3A_10 = tpu.memref_squeeze %dma_start3A_9 : memref<1x128xf32, #tpu.memory_space<vmem>> -> memref<128xf32, #tpu.memory_space<vmem>>
    %dma_start3A_11 = arith.constant 0 : i32
    %dma_start3A_12 = tpu.memref_slice %arg7[%dma_start3A, %dma_start3A_11] : memref<2x128xi32, #tpu.memory_space<vmem>> -> memref<1x128xi32, #tpu.memory_space<vmem>>
    %dma_start3A_13 = tpu.memref_squeeze %dma_start3A_12 : memref<1x128xi32, #tpu.memory_space<vmem>> -> memref<128xi32, #tpu.memory_space<vmem>>
    %dma_start3A_14 = arith.constant 0 : i32
    %dma_start3A_15 = tpu.memref_slice %arg2[%dma_start3A_14] : memref<409600000xf32, #tpu.memory_space<hbm>> -> memref<409600000xf32, #tpu.memory_space<hbm>>
    tpu.enqueue_indirect_dma source(%dma_start3A_15 : memref<409600000xf32, #tpu.memory_space<hbm>>) target(%dma_start3A_10 : memref<128xf32, #tpu.memory_space<vmem>>) offsets(%dma_start3A_13 : memref<128xi32, #tpu.memory_space<vmem>>) semaphore(%arg11 : memref<!tpu.dma_semaphore, #tpu.memory_space<semaphore_mem>>)
    %dma_start3A_16 = arith.constant 1 : i32
    %dma_start3A_17 = arith.constant 1 : i32
    %dma_start3A_18 = arith.constant 0 : i32
    %dma_start3A_19 = tpu.memref_slice %arg8[%dma_start3A_17, %dma_start3A_18] : memref<2x128xf32, #tpu.memory_space<vmem>> -> memref<1x128xf32, #tpu.memory_space<vmem>>
    %dma_start3A_20 = tpu.memref_squeeze %dma_start3A_19 : memref<1x128xf32, #tpu.memory_space<vmem>> -> memref<128xf32, #tpu.memory_space<vmem>>
    %dma_start3A_21 = arith.constant 0 : i32
    %dma_start3A_22 = tpu.memref_slice %arg7[%dma_start3A_16, %dma_start3A_21] : memref<2x128xi32, #tpu.memory_space<vmem>> -> memref<1x128xi32, #tpu.memory_space<vmem>>
    %dma_start3A_23 = tpu.memref_squeeze %dma_start3A_22 : memref<1x128xi32, #tpu.memory_space<vmem>> -> memref<128xi32, #tpu.memory_space<vmem>>
    %dma_start3A_24 = arith.constant 0 : i32
    %dma_start3A_25 = tpu.memref_slice %arg2[%dma_start3A_24] : memref<409600000xf32, #tpu.memory_space<hbm>> -> memref<409600000xf32, #tpu.memory_space<hbm>>
    tpu.enqueue_indirect_dma source(%dma_start3A_25 : memref<409600000xf32, #tpu.memory_space<hbm>>) target(%dma_start3A_20 : memref<128xf32, #tpu.memory_space<vmem>>) offsets(%dma_start3A_23 : memref<128xi32, #tpu.memory_space<vmem>>) semaphore(%arg11 : memref<!tpu.dma_semaphore, #tpu.memory_space<semaphore_mem>>)
    %dma_wait3A = arith.constant 0 : i32
    %dma_wait3A_26 = arith.constant 0 : i32
    %dma_wait3A_27 = arith.constant 0 : i32
    %dma_wait3A_28 = tpu.memref_slice %arg8[%dma_wait3A_26, %dma_wait3A_27] : memref<2x128xf32, #tpu.memory_space<vmem>> -> memref<1x128xf32, #tpu.memory_space<vmem>>
    %dma_wait3A_29 = tpu.memref_squeeze %dma_wait3A_28 : memref<1x128xf32, #tpu.memory_space<vmem>> -> memref<128xf32, #tpu.memory_space<vmem>>
    %dma_wait3A_30 = arith.constant 0 : i32
    %dma_wait3A_31 = tpu.memref_slice %arg7[%dma_wait3A, %dma_wait3A_30] : memref<2x128xi32, #tpu.memory_space<vmem>> -> memref<1x128xi32, #tpu.memory_space<vmem>>
    %dma_wait3A_32 = tpu.memref_squeeze %dma_wait3A_31 : memref<1x128xi32, #tpu.memory_space<vmem>> -> memref<128xi32, #tpu.memory_space<vmem>>
    %dma_wait3A_33 = arith.constant 0 : i32
    %dma_wait3A_34 = tpu.memref_slice %arg2[%dma_wait3A_33] : memref<409600000xf32, #tpu.memory_space<hbm>> -> memref<409600000xf32, #tpu.memory_space<hbm>>
    tpu.wait_indirect_dma semaphore(%arg11 : memref<!tpu.dma_semaphore, #tpu.memory_space<semaphore_mem>>) src(%dma_wait3A_34 : memref<409600000xf32, #tpu.memory_space<hbm>>) dst(%dma_wait3A_29 : memref<128xf32, #tpu.memory_space<vmem>>)
    %dma_wait3A_35 = arith.constant 1 : i32
    %dma_wait3A_36 = arith.constant 1 : i32
    %dma_wait3A_37 = arith.constant 0 : i32
    %dma_wait3A_38 = tpu.memref_slice %arg8[%dma_wait3A_36, %dma_wait3A_37] : memref<2x128xf32, #tpu.memory_space<vmem>> -> memref<1x128xf32, #tpu.memory_space<vmem>>
    %dma_wait3A_39 = tpu.memref_squeeze %dma_wait3A_38 : memref<1x128xf32, #tpu.memory_space<vmem>> -> memref<128xf32, #tpu.memory_space<vmem>>
    %dma_wait3A_40 = arith.constant 0 : i32
    %dma_wait3A_41 = tpu.memref_slice %arg7[%dma_wait3A_35, %dma_wait3A_40] : memref<2x128xi32, #tpu.memory_space<vmem>> -> memref<1x128xi32, #tpu.memory_space<vmem>>
    %dma_wait3A_42 = tpu.memref_squeeze %dma_wait3A_41 : memref<1x128xi32, #tpu.memory_space<vmem>> -> memref<128xi32, #tpu.memory_space<vmem>>
    %dma_wait3A_43 = arith.constant 0 : i32
    %dma_wait3A_44 = tpu.memref_slice %arg2[%dma_wait3A_43] : memref<409600000xf32, #tpu.memory_space<hbm>> -> memref<409600000xf32, #tpu.memory_space<hbm>>
    tpu.wait_indirect_dma semaphore(%arg11 : memref<!tpu.dma_semaphore, #tpu.memory_space<semaphore_mem>>) src(%dma_wait3A_44 : memref<409600000xf32, #tpu.memory_space<hbm>>) dst(%dma_wait3A_39 : memref<128xf32, #tpu.memory_space<vmem>>)
    %broadcast_in_dim3A = arith.constant 0.000000e+00 : f32
    %broadcast_in_dim3A_45 = vector.broadcast %broadcast_in_dim3A : f32 to vector<16xf32>
    %scan3A_46 = arith.constant 0 : i32
    %scan3A_47 = arith.constant 16 : i32
    %scan3A_48 = arith.addi %scan3A_46, %scan3A_47 : i32
    %scan3A_49 = arith.constant 1 : i32
    %scan3A_50 = scf.for %scan3A_55 = %scan3A_46 to %scan3A_48 step %scan3A_49 iter_args(%scan3A_56 = %broadcast_in_dim3A_45) -> (vector<16xf32>)  : i32 {
      %div3A = arith.constant 8 : i32
      %div3A_57 = arith.divsi %scan3A_55, %div3A : i32
      %rem3A = arith.constant 8 : i32
      %rem3A_58 = arith.remsi %scan3A_55, %rem3A : i32
      %mul3A_59 = arith.constant 16 : i32
      %mul3A_60 = arith.muli %rem3A_58, %mul3A_59 : i32
      %get3A = arith.index_cast %div3A_57 : i32 to index
      %get3A_61 = arith.index_cast %mul3A_60 : i32 to index
      %get3A_62 = tpu.vector_load %arg8[%get3A, %get3A_61] {strides = array<i32>} : memref<2x128xf32, #tpu.memory_space<vmem>>, vector<16xf32>,
      %add3A = arith.addf %scan3A_56, %get3A_62 : vector<16xf32>
      scf.yield %add3A : vector<16xf32>
    }
    %scan3A_51 = arith.constant 16 : i32
    %swap3A = arith.constant 0 : index
    %swap3A_52 = tpu.vector_load %arg9[%swap3A] {strides = array<i32>} : memref<16xf32, #tpu.memory_space<vmem>>, vector<16xf32>,
    tpu.vector_store %arg9[%swap3A], %scan3A_50 {strides = array<i32>} : memref<16xf32, #tpu.memory_space<vmem>>, vector<16xf32>,
    "tpu.region"() ({
      %run_scoped3A = tpu.sem_alloc : memref<!tpu.dma_semaphore, #tpu.memory_space<semaphore_mem>>
      %dma_start3A_55 = arith.constant 0 : i32
      %dma_start3A_56 = tpu.memref_slice %arg4[%arg1, %dma_start3A_55] : memref<16x16xf32, #tpu.memory_space<hbm>> -> memref<1x16xf32, #tpu.memory_space<hbm>>
      %dma_start3A_57 = tpu.memref_squeeze %dma_start3A_56 : memref<1x16xf32, #tpu.memory_space<hbm>> -> memref<16xf32, #tpu.memory_space<hbm>>
      %dma_start3A_58 = arith.constant 0 : i32
      %dma_start3A_59 = tpu.memref_slice %arg4[%arg1, %dma_start3A_58] : memref<16x16xf32, #tpu.memory_space<hbm>> -> memref<1x16xf32, #tpu.memory_space<hbm>>
      %dma_start3A_60 = tpu.memref_squeeze %dma_start3A_59 : memref<1x16xf32, #tpu.memory_space<hbm>> -> memref<16xf32, #tpu.memory_space<hbm>>
      tpu.enqueue_dma source(%arg9 : memref<16xf32, #tpu.memory_space<vmem>>) target(%dma_start3A_60 : memref<16xf32, #tpu.memory_space<hbm>>) target_semaphore(%run_scoped3A : memref<!tpu.dma_semaphore, #tpu.memory_space<semaphore_mem>>)
      %dma_wait3A_61 = arith.constant 0 : i32
      %dma_wait3A_62 = tpu.memref_slice %arg4[%arg1, %dma_wait3A_61] : memref<16x16xf32, #tpu.memory_space<hbm>> -> memref<1x16xf32, #tpu.memory_space<hbm>>
      %dma_wait3A_63 = tpu.memref_squeeze %dma_wait3A_62 : memref<1x16xf32, #tpu.memory_space<hbm>> -> memref<16xf32, #tpu.memory_space<hbm>>
      %dma_wait3A_64 = arith.constant 0 : i32
      %dma_wait3A_65 = tpu.memref_slice %arg4[%arg1, %dma_wait3A_64] : memref<16x16xf32, #tpu.memory_space<hbm>> -> memref<1x16xf32, #tpu.memory_space<hbm>>
      %dma_wait3A_66 = tpu.memref_squeeze %dma_wait3A_65 : memref<1x16xf32, #tpu.memory_space<hbm>> -> memref<16xf32, #tpu.memory_space<hbm>>
      tpu.wait_dma2 semaphore(%run_scoped3A : memref<!tpu.dma_semaphore, #tpu.memory_space<semaphore_mem>>) src(%arg9 : memref<16xf32, #tpu.memory_space<vmem>>) dst(%dma_wait3A_66 : memref<16xf32, #tpu.memory_space<hbm>>)
      tpu.yield
    }) : () -> ()
    %barrier3A = arith.constant 0 : index
    tpu.barrier barrier_id(%barrier3A)
    %eq3A = arith.constant 0 : i32
    %eq3A_53 = arith.cmpi eq, %arg1, %eq3A : i32
    %convert_element_type3A = arith.extui %eq3A_53 : i1 to i32
    %cond3A = arith.constant 0 : i32
    %cond3A_54 = arith.cmpi ne, %convert_element_type3A, %cond3A : i32
    scf.if %cond3A_54 {
      "tpu.region"() ({
        %run_scoped3A = tpu.sem_alloc : memref<!tpu.dma_semaphore, #tpu.memory_space<semaphore_mem>>
        tpu.enqueue_dma source(%arg4 : memref<16x16xf32, #tpu.memory_space<hbm>>) target(%arg10 : memref<16x16xf32, #tpu.memory_space<vmem>>) target_semaphore(%run_scoped3A : memref<!tpu.dma_semaphore, #tpu.memory_space<semaphore_mem>>)
        tpu.wait_dma2 semaphore(%run_scoped3A : memref<!tpu.dma_semaphore, #tpu.memory_space<semaphore_mem>>) src(%arg4 : memref<16x16xf32, #tpu.memory_space<hbm>>) dst(%arg10 : memref<16x16xf32, #tpu.memory_space<vmem>>)
        tpu.yield
      }) : () -> ()
      %broadcast_in_dim3A_55 = arith.constant 0.000000e+00 : f32
      %broadcast_in_dim3A_56 = vector.broadcast %broadcast_in_dim3A_55 : f32 to vector<16xf32>
      %get3A = arith.constant 0 : i32
      %get3A_57 = arith.index_cast %get3A : i32 to index
      %get3A_58 = arith.constant 0 : index
      %get3A_59 = tpu.vector_load %arg10[%get3A_57, %get3A_58] {strides = array<i32>} : memref<16x16xf32, #tpu.memory_space<vmem>>, vector<16xf32>,
      %add3A = arith.addf %broadcast_in_dim3A_56, %get3A_59 : vector<16xf32>
      %get3A_60 = arith.constant 1 : i32
      %get3A_61 = arith.index_cast %get3A_60 : i32 to index
      %get3A_62 = arith.constant 0 : index
      %get3A_63 = tpu.vector_load %arg10[%get3A_61, %get3A_62] {strides = array<i32>} : memref<16x16xf32, #tpu.memory_space<vmem>>, vector<16xf32>,
      %add3A_64 = arith.addf %add3A, %get3A_63 : vector<16xf32>
      %get3A_65 = arith.constant 2 : i32
      %get3A_66 = arith.index_cast %get3A_65 : i32 to index
      %get3A_67 = arith.constant 0 : index
      %get3A_68 = tpu.vector_load %arg10[%get3A_66, %get3A_67] {strides = array<i32>} : memref<16x16xf32, #tpu.memory_space<vmem>>, vector<16xf32>,
      %add3A_69 = arith.addf %add3A_64, %get3A_68 : vector<16xf32>
      %get3A_70 = arith.constant 3 : i32
      %get3A_71 = arith.index_cast %get3A_70 : i32 to index
      %get3A_72 = arith.constant 0 : index
      %get3A_73 = tpu.vector_load %arg10[%get3A_71, %get3A_72] {strides = array<i32>} : memref<16x16xf32, #tpu.memory_space<vmem>>, vector<16xf32>,
      %add3A_74 = arith.addf %add3A_69, %get3A_73 : vector<16xf32>
      %get3A_75 = arith.constant 4 : i32
      %get3A_76 = arith.index_cast %get3A_75 : i32 to index
      %get3A_77 = arith.constant 0 : index
      %get3A_78 = tpu.vector_load %arg10[%get3A_76, %get3A_77] {strides = array<i32>} : memref<16x16xf32, #tpu.memory_space<vmem>>, vector<16xf32>,
      %add3A_79 = arith.addf %add3A_74, %get3A_78 : vector<16xf32>
      %get3A_80 = arith.constant 5 : i32
      %get3A_81 = arith.index_cast %get3A_80 : i32 to index
      %get3A_82 = arith.constant 0 : index
      %get3A_83 = tpu.vector_load %arg10[%get3A_81, %get3A_82] {strides = array<i32>} : memref<16x16xf32, #tpu.memory_space<vmem>>, vector<16xf32>,
      %add3A_84 = arith.addf %add3A_79, %get3A_83 : vector<16xf32>
      %get3A_85 = arith.constant 6 : i32
      %get3A_86 = arith.index_cast %get3A_85 : i32 to index
      %get3A_87 = arith.constant 0 : index
      %get3A_88 = tpu.vector_load %arg10[%get3A_86, %get3A_87] {strides = array<i32>} : memref<16x16xf32, #tpu.memory_space<vmem>>, vector<16xf32>,
      %add3A_89 = arith.addf %add3A_84, %get3A_88 : vector<16xf32>
      %get3A_90 = arith.constant 7 : i32
      %get3A_91 = arith.index_cast %get3A_90 : i32 to index
      %get3A_92 = arith.constant 0 : index
      %get3A_93 = tpu.vector_load %arg10[%get3A_91, %get3A_92] {strides = array<i32>} : memref<16x16xf32, #tpu.memory_space<vmem>>, vector<16xf32>,
      %add3A_94 = arith.addf %add3A_89, %get3A_93 : vector<16xf32>
      %get3A_95 = arith.constant 8 : i32
      %get3A_96 = arith.index_cast %get3A_95 : i32 to index
      %get3A_97 = arith.constant 0 : index
      %get3A_98 = tpu.vector_load %arg10[%get3A_96, %get3A_97] {strides = array<i32>} : memref<16x16xf32, #tpu.memory_space<vmem>>, vector<16xf32>,
      %add3A_99 = arith.addf %add3A_94, %get3A_98 : vector<16xf32>
      %get3A_100 = arith.constant 9 : i32
      %get3A_101 = arith.index_cast %get3A_100 : i32 to index
      %get3A_102 = arith.constant 0 : index
      %get3A_103 = tpu.vector_load %arg10[%get3A_101, %get3A_102] {strides = array<i32>} : memref<16x16xf32, #tpu.memory_space<vmem>>, vector<16xf32>,
      %add3A_104 = arith.addf %add3A_99, %get3A_103 : vector<16xf32>
      %get3A_105 = arith.constant 10 : i32
      %get3A_106 = arith.index_cast %get3A_105 : i32 to index
      %get3A_107 = arith.constant 0 : index
      %get3A_108 = tpu.vector_load %arg10[%get3A_106, %get3A_107] {strides = array<i32>} : memref<16x16xf32, #tpu.memory_space<vmem>>, vector<16xf32>,
      %add3A_109 = arith.addf %add3A_104, %get3A_108 : vector<16xf32>
      %get3A_110 = arith.constant 11 : i32
      %get3A_111 = arith.index_cast %get3A_110 : i32 to index
      %get3A_112 = arith.constant 0 : index
      %get3A_113 = tpu.vector_load %arg10[%get3A_111, %get3A_112] {strides = array<i32>} : memref<16x16xf32, #tpu.memory_space<vmem>>, vector<16xf32>,
      %add3A_114 = arith.addf %add3A_109, %get3A_113 : vector<16xf32>
      %get3A_115 = arith.constant 12 : i32
      %get3A_116 = arith.index_cast %get3A_115 : i32 to index
      %get3A_117 = arith.constant 0 : index
      %get3A_118 = tpu.vector_load %arg10[%get3A_116, %get3A_117] {strides = array<i32>} : memref<16x16xf32, #tpu.memory_space<vmem>>, vector<16xf32>,
      %add3A_119 = arith.addf %add3A_114, %get3A_118 : vector<16xf32>
      %get3A_120 = arith.constant 13 : i32
      %get3A_121 = arith.index_cast %get3A_120 : i32 to index
      %get3A_122 = arith.constant 0 : index
      %get3A_123 = tpu.vector_load %arg10[%get3A_121, %get3A_122] {strides = array<i32>} : memref<16x16xf32, #tpu.memory_space<vmem>>, vector<16xf32>,
      %add3A_124 = arith.addf %add3A_119, %get3A_123 : vector<16xf32>
      %get3A_125 = arith.constant 14 : i32
      %get3A_126 = arith.index_cast %get3A_125 : i32 to index
      %get3A_127 = arith.constant 0 : index
      %get3A_128 = tpu.vector_load %arg10[%get3A_126, %get3A_127] {strides = array<i32>} : memref<16x16xf32, #tpu.memory_space<vmem>>, vector<16xf32>,
      %add3A_129 = arith.addf %add3A_124, %get3A_128 : vector<16xf32>
      %get3A_130 = arith.constant 15 : i32
      %get3A_131 = arith.index_cast %get3A_130 : i32 to index
      %get3A_132 = arith.constant 0 : index
      %get3A_133 = tpu.vector_load %arg10[%get3A_131, %get3A_132] {strides = array<i32>} : memref<16x16xf32, #tpu.memory_space<vmem>>, vector<16xf32>,
      %add3A_134 = arith.addf %add3A_129, %get3A_133 : vector<16xf32>
      %reduce_sum3A = arith.constant true
      %reduce_sum3A_135 = vector.broadcast %reduce_sum3A : i1 to vector<16xi1>
      %reduce_sum3A_136 = tpu.scan <sum>, %add3A_134 masked %reduce_sum3A_135 : vector<16xf32>, vector<16xi1> -> vector<16xf32>
      %reduce_sum3A_137 = vector.extract %reduce_sum3A_136[15] : f32 from vector<16xf32>
      %mul3A_138 = arith.constant -2.44140625E-4 : f32
      %mul3A_139 = arith.mulf %reduce_sum3A_137, %mul3A_138 : f32
      %broadcast_in_dim3A_140 = vector.broadcast %mul3A_139 : f32 to vector<16xf32>
      %swap3A_141 = arith.constant 0 : index
      %swap3A_142 = tpu.vector_load %arg9[%swap3A_141] {strides = array<i32>} : memref<16xf32, #tpu.memory_space<vmem>>, vector<16xf32>,
      tpu.vector_store %arg9[%swap3A_141], %broadcast_in_dim3A_140 {strides = array<i32>} : memref<16xf32, #tpu.memory_space<vmem>>, vector<16xf32>,
      "tpu.region"() ({
        %run_scoped3A = tpu.sem_alloc : memref<!tpu.dma_semaphore, #tpu.memory_space<semaphore_mem>>
        tpu.enqueue_dma source(%arg9 : memref<16xf32, #tpu.memory_space<vmem>>) target(%arg5 : memref<16xf32, #tpu.memory_space<hbm>>) target_semaphore(%run_scoped3A : memref<!tpu.dma_semaphore, #tpu.memory_space<semaphore_mem>>)
        tpu.wait_dma2 semaphore(%run_scoped3A : memref<!tpu.dma_semaphore, #tpu.memory_space<semaphore_mem>>) src(%arg9 : memref<16xf32, #tpu.memory_space<vmem>>) dst(%arg5 : memref<16xf32, #tpu.memory_space<hbm>>)
        tpu.yield
      }) : () -> ()
    } else {
    }
    return
  }
}

</mosaic_0001>

<sc_bundles>
// kernel: kernel.3.cloned.1.call-start
scs
__scs_entry_jumppad:
0x0: {  	(pc) =	sbr.rel $0x88, $3  }
0x1: {  	(tag) =	ssettag $0x0;
	lr =	simm.s32 $0x1  }
0x2: {  	[smem:$0x3F9F] =	sst lr;
	_ =	strace $0xD0000000  }
0x3: {  	_ = 	snop  }
0x4: {  	_ = 	snop  }
0x5: {  	_ = 	snop  }
0x6: {  	_ = 	snop  }
0x7: {  	_ = 	snop  }
__scs_overlays_trampoline_lowered:
0x8: {  	[smem:$0x3FAE] =	sst s0  }
0x9: {  	[smem:$0x3FAF] =	sst s1  }
0xa: {  	[smem:$0x3FB0] =	sst s2  }
0xb: {  	[smem:$0x3FB1] =	sst s3  }
0xc: {  	[smem:$0x3FB2] =	sst s4  }
0xd: {  	[smem:$0x3FB3] =	sst s5  }
0xe: {  	[smem:$0x3FB4] =	sst s6  }
0xf: {  	[smem:$0x3FB5] =	sst s7  }
0x10: {  	[smem:$0x3FB6] =	sst s8  }
0x11: {  	[smem:$0x3FB7] =	sst s9;
	s0 =	simm.s32 @!p0 $0x0  }
0x12: {  	s1 =	sld [smem:$0x3F9D];
	s0 =	simm.s32 @p0 $0x1  }
0x13: {  	[smem:$0x3FB8] =	sst s0;
	s0 =	simm.s32 @!p1 $0x0  }
0x14: {  	s2 =	sld [smem:$0x3F9C];
	s0 =	simm.s32 @p1 $0x1  }
0x15: {  	[smem:$0x3FB9] =	sst s0;
	s0 =	simm.s32 @!p2 $0x0  }
0x16: {  	s3 =	sld [smem:$0x3FDB];
	s0 =	simm.s32 @p2 $0x1  }
0x17: {  	s4 =	simm.s32 $0x1BF5;
	[smem:$0x3FBB] =	sst s0  }
0x18: {  	s0 =	sld [smem:$0x3F9E];
	_ =	swait.ge [sflag:s4], $0x0  }
0x19: {  	s7 =	sld [smem:$0x3F9F]  }
0x1a: {  	s8 =	sadd.s32 $0xFFFFE003, lr  }
0x1b: {  	s9 =	sadd.s32 $0xFFFFFEF7, lr;
	s5 =	simm.s32 $0xFFFFFFFF;
	p2 =	slt.u32 s8, $0xFFFFF086  }
0x1c: {  	p1 =	slt.u32 s9, $0xF7A;
	s5 =	simm.s32 @!p2 $0x0  }
0x1d: {  	s5 =	simm.s32 @p1 $0x1;
	p0 =	seq.s32 s7, s2  }
0x1e: {  	s7 =	smul.u32 @!p0 $0xF7A, s2;
	p2 =	seq.s32 @!p0 s5, $0x0  }
0x1f: {  	s9 =	smul.u32 $0xF7A, s1;
	s8 =	simm.s32 @!p0 $0x1BF5;
	p2 =	por !p2, p0  }
0x20: {  	[sflag:s8] =	ssyncset.s32 @!p0 $0xFFFFF086;
	s6 =	sadd.s32 @!p0 s3, s7;
	s7 =	simm.s32 @!p0 $0x108  }
0x21: {  	s3 =	sadd.s32 s3, s9;
	s6 =	sadd.s32 @!p0 $0x88, s6;
	s7 =	simm.s32 @p2 $0x1082  }
0x22: {  	[simem:s7], [sflag:s8] =	dma.local @!p0 [hbm:s6], $0xF7A  }
0x23: {  	s9 =	sor.u32 $0xD0000000, s2;
	s6 =	simm.s32 $0x108;
	_ =	swait.ge @!p0 [sflag:s8], $0x0  }
0x24: {  	s3 =	sadd.s32 $0x88, s3;
	s6 =	simm.s32 @!p1 $0x1082;
	[sflag:s4] =	ssyncset.s32 $0xFFFFF086  }
0x25: {  	[simem:s6], [sflag:s4] =	dma.local [hbm:s3], $0xF7A  }
0x26: {  	[smem:$0x3F9F] =	sst s1;
	(tag) =	ssettag s2;
	_ =	strace s9  }
0x27: {  	s1 =	sld [smem:$0x3FAF]  }
0x28: {  	s2 =	sld [smem:$0x3FB0]  }
0x29: {  	s4 =	sld [smem:$0x3FB2]  }
0x2a: {  	p0 =	seq.s32 s5, $0x0;
	s5 =	sld [smem:$0x3FB3]  }
0x2b: {  	s6 =	sld [smem:$0x3FB4]  }
0x2c: {  	s7 =	sld [smem:$0x3FB5]  }
0x2d: {  	s3 =	simm.s32 $0x108;
	s8 =	sld [smem:$0x3FB6]  }
0x2e: {  	s3 =	simm.s32 @!p0 $0x1082;
	s9 =	sld [smem:$0x3FB7]  }
0x2f: {  	lr =	sadd.s32 s0, s3;
	s0 =	sld [smem:$0x3FAE]  }
0x30: {  	s3 =	sld [smem:$0x3FB1]  }
0x31: {  	[smem:$0x3FBA] =	sst s10  }
0x32: {  	s10 =	sld [smem:$0x3FB8];
	_ =	sdelay $0x3  }
0x33: {  	p0 =	seq.s32 s10, $0x1;
	s10 =	sld [smem:$0x3FBA];
	_ =	sdelay $0x3  }
0x34: {  	[smem:$0x3FBA] =	sst s10  }
0x35: {  	s10 =	sld [smem:$0x3FB9];
	_ =	sdelay $0x3  }
0x36: {  	p1 =	seq.s32 s10, $0x1;
	s10 =	sld [smem:$0x3FBA];
	_ =	sdelay $0x3  }
0x37: {  	[smem:$0x3FBA] =	sst s10  }
0x38: {  	s10 =	sld [smem:$0x3FBB]  }
0x39: {  	_ = 	snop;
	(pc) =	sbr.ind lr, $3  }
0x3a: {  	_ = 	snop  }
0x3b: {  	_ = 	snop  }
0x3c: {  	p2 =	seq.s32 s10, $0x1;
	s10 =	sld [smem:$0x3FBA]  }
0x3d: {  	_ =	shalt  }
0x3e: {  	_ =	shalt  }
0x3f: {  	_ =	shalt  }
0x40: {  	_ =	shalt  }
0x41: {  	_ =	shalt  }
0x42: {  	_ =	shalt  }
0x43: {  	_ =	shalt  }
0x44: {  	_ =	shalt  }
0x45: {  	_ =	shalt  }
0x46: {  	_ =	shalt  }
0x47: {  	_ =	shalt  }
0x48: {  	_ =	shalt  }
0x49: {  	_ =	shalt  }
0x4a: {  	_ =	shalt  }
0x4b: {  	_ =	shalt  }
0x4c: {  	_ =	shalt  }
0x4d: {  	_ =	shalt  }
0x4e: {  	_ =	shalt  }
0x4f: {  	_ =	shalt  }
0x50: {  	_ =	shalt  }
0x51: {  	_ =	shalt  }
0x52: {  	_ =	shalt  }
0x53: {  	_ =	shalt  }
0x54: {  	_ =	shalt  }
0x55: {  	_ =	shalt  }
0x56: {  	_ =	shalt  }
0x57: {  	_ =	shalt  }
0x58: {  	_ =	shalt  }
0x59: {  	_ =	shalt  }
0x5a: {  	_ =	shalt  }
0x5b: {  	_ =	shalt  }
0x5c: {  	_ =	shalt  }
0x5d: {  	_ =	shalt  }
0x5e: {  	_ =	shalt  }
0x5f: {  	_ =	shalt  }
0x60: {  	_ =	shalt  }
0x61: {  	_ =	shalt  }
0x62: {  	_ =	shalt  }
0x63: {  	_ =	shalt  }
0x64: {  	_ =	shalt  }
0x65: {  	_ =	shalt  }
0x66: {  	_ =	shalt  }
0x67: {  	_ =	shalt  }
0x68: {  	_ =	shalt  }
0x69: {  	_ =	shalt  }
0x6a: {  	_ =	shalt  }
0x6b: {  	_ =	shalt  }
0x6c: {  	_ =	shalt  }
0x6d: {  	_ =	shalt  }
0x6e: {  	_ =	shalt  }
0x6f: {  	_ =	shalt  }
0x70: {  	_ =	shalt  }
0x71: {  	_ =	shalt  }
0x72: {  	_ =	shalt  }
0x73: {  	_ =	shalt  }
0x74: {  	_ =	shalt  }
0x75: {  	_ =	shalt  }
0x76: {  	_ =	shalt  }
0x77: {  	_ =	shalt  }
0x78: {  	_ =	shalt  }
0x79: {  	_ =	shalt  }
0x7a: {  	_ =	shalt  }
0x7b: {  	_ =	shalt  }
0x7c: {  	_ =	shalt  }
0x7d: {  	_ =	shalt  }
0x7e: {  	_ =	shalt  }
0x7f: {  	_ =	shalt  }
0x80: {  	_ =	shalt  }
0x81: {  	_ =	shalt  }
0x82: {  	_ =	shalt  }
0x83: {  	_ =	shalt  }
0x84: {  	_ =	shalt  }
0x85: {  	_ =	shalt  }
0x86: {  	_ =	shalt  }
0x87: {  	_ =	shalt  }
.Lfunc_end0:
.L_simem_size_0:
called_computation_lowered:
.L_overlay_start_0:
0x88: {  	s0 =	sld [smem:$0x3FD9]  }
0x89: {  	s1 =	sld [smem:$0x3FFE];
	_ =	sdelay $0x3  }
0x8a: {  	s0 =	sadd.s32 s1, s0  }
0x8b: {  	[smem:$0x3FC6] =	sst s0  }
0x8c: {  	_ = 	snop  }
0x8d: {  	s0 =	sld [smem:$0x3FC9]  }
0x8e: {  	s16 =	sld [smem:$0x3FC8]  }
0x8f: {  	s2 =	sld [smem:$0x3FD0];
	(tm) =	ssettm $0x1  }
0x90: {  	s3 =	sld [smem:$0x3FFB];
	_ =	sdelay $0x3  }
0x91: {  	_ =	strace s3  }
0x92: {  	s3 =	sld [smem:$0x3FFC];
	_ =	sdelay $0x3  }
0x93: {  	_ =	strace s3  }
0x94: {  	s3 =	sld [smem:$0x3FFD];
	_ =	sdelay $0x3  }
0x95: {  	_ =	strace s3  }
0x96: {  	_ =	strace $0x8FFFFFFF  }
0x97: {  	s17 =	sld [smem:$0x3FDB];
	_ =	sdelay $0x1  }
0x98: {  	s4 =	simm.s32 $_scs_section_size  }
0x99: {  	s5 =	simm.s32 $_size__tile_overlayer_lowered;
	s6 =	simm.s32 $_tile_overlayer_lowered  }
0x9a: {  	s20 =	simm.s32 $0x1BFF;
	s19 =	sshll.u32 s6, $0x1;
	s3 =	sadd.s32 s4, s17  }
0x9b: {  	s7 =	simm.s32 $0x0;
	s18 =	sshll.u32 s5, $0x1;
	s5 =	sadd.s32 s19, s3  }
0x9c: {  	[timem:s7], [sflag:s20] =	dma.local [hbm:s5], s18  }
0x9d: {  	_ =	swait.ge [sflag:s20], s18  }
0x9e: {  	s4 =	ssub.s32 $0x0, s18;
	[sflag:s20] =	ssyncset.done $0x0  }
0x9f: {  	[sflag:s20] =	ssyncadd.s32 s4;
	_ =	sdelay $0x1  }
0xa0: {  	s21 =	simm.s32 $0x1B8B  }
0xa1: {  	_ =	swait.ge [sflag:s21], $0x1  }
0xa2: {  	[sflag:s21] =	ssyncset.done $0x0  }
0xa3: {  	s23 =	simm.s32 $0x1B8E;
	s22 =	sld [smem:$0x3FFE];
	[sflag:s21] =	ssyncadd.s32 $0xFFFFFFFF  }
0xa4: {  	s24 =	simm.s32 $execute0_lowered;
	[smem:$0x3FD2] =	sst s23  }
0xa5: {  	s5 =	sshll.u32 s24, $0x1;
	_ =	strace $0x80000046;
	[dreg:$0x1] =	wrdreg $0xFFFFFFFF  }
0xa6: {  	s25 =	simm.s32 $_size_execute0_lowered;
	s3 =	sadd.s32 s3, s5;
	[dreg:$0x0] =	wrdreg $0x0  }
0xa7: {  	s5 =	sshll.u32 s25, $0x1;
	[dreg:$0x2] =	wrdreg s3  }
0xa8: {  	[dreg:$0x3] =	wrdreg s5  }
0xa9: {  	[dreg:$0x4] =	wrdreg $0xC0  }
0xaa: {  	_ =	task [dreg:s7], $0x5FFFF  }
0xab: {  	[dreg:$0x1] =	wrdreg $0xFFFFFFFF  }
0xac: {  	[dreg:$0x0] =	wrdreg $0x60  }
0xad: {  	[dreg:$0x2] =	wrdreg s0  }
0xae: {  	[dreg:$0x3] =	wrdreg s16  }
0xaf: {  	[dreg:$0x4] =	wrdreg s22  }
0xb0: {  	[dreg:$0x5] =	wrdreg s2  }
0xb1: {  	[dreg:$0x6] =	wrdreg $0x9  }
0xb2: {  	_ =	task.clear_ibuf [dreg:s7], $0x7FFFF;
	_ =	strace $0x90000046  }
0xb3: {  	s26 =	simm.s32 $0x9;
	_ =	strace $0x80000048  }
0xb4: {  	_ =	swait.ge [sflag:s26], $0x1  }
0xb5: {  	[sflag:s26] =	ssyncadd.s32 $0xFFFFFFFF  }
0xb6: {  	_ =	strace $0x90000048  }
0xb7: {  	_ =	sfence  }
0xb8: {  	s28 =	sld [smem:$0x0];
	_ =	sdelay $0x1  }
0xb9: {  	s29 =	srdreg.scid  }
0xba: {  	s30 =	sshll.u32 s29, $0xD;
	s31 =	sshrl.u32 s29, $0x2  }
0xbb: {  	s1 =	sand.u32 $0x1, s29;
	s2 =	sand.u32 $0x4000, s30;
	s0 =	sadd.s32 s31, s28  }
0xbc: {  	s1 =	sor.u32 s2, s1;
	s0 =	sshll.u32 s0, $0x11  }
0xbd: {  	s0 =	sor.u32 s0, s1  }
0xbe: {  	s0 =	sadd.s32 $0x8F2B, s0  }
0xbf: {  	[sflag:s0] =	ssyncadd.remote.s32 $0x1  }
0xc0: {  	_ =	sfence.sel $0xFFFF  }
0xc1: {  	[dreg:$0x0] =	wrdreg $0xFFFFFFFF;
	(pc) =	sbr.abs _section_cstart, $3  }
0xc2: {  	[dreg:$0x1] =	wrdreg $0xFFFFFFFF  }
0xc3: {  	_ =	task.clear_ibuf [dreg:s7], $0x2FFFF;
	_ =	strace $0x9FFFFFFF  }
0xc4: {  	(tm) =	ssettm $0x7FFFFFFF  }
0xc5: {  	_ =	shalt  }
tec
execute0_lowered:
.L_overlay_start_1:
0x0: {  	(tag) =	ssettag $0x1  }
0x1: {  	s4 =	rddreg [dreg:$0x0]  }
0x2: {  	s3 =	rddreg [dreg:$0x1]  }
0x3: {  	s7 =	rddreg [dreg:$0x2]  }
0x4: {  	s1 =	rddreg [dreg:$0x3]  }
0x5: {  	s0 =	rddreg [dreg:$0x4];
	s5 =	simm.s32 $0x0;
	s2 =	stileid.u32  }
0x6: {  	[smem:$0x7FF] =	sst s5;
	s6 =	sshll.u32 s2, $0x5  }
0x7: {  	s28 =	simm.s32 $0x2;
	_ =	strace $0x80000047;
	s3 =	sadd.s32 s3, s6  }
0x8: {  	[tilespmem:s5], [sflag:$0x2] =	stream.linear.gather [hbm4b:s3+s5], $0x100, $0x38;
	[tilespmem:$0xB80] =	vst v63  }
0x9: {  	_ =	swait.ge [sflag:s28], $0x100  }
0xa: {  	[sflag:s28] =	ssyncset.done $0x0  }
0xb: {  	s29 =	simm.s32 $0x0;
	[sflag:s28] =	ssyncadd.s32 $0xFFFFFF00  }
0xc: {  	v1 =	vld [tilespmem:s29+$0x0];
	_ =	sdelay $0x2  }
0xd: {  	s6 =	sshll.u32 s2, $0x8  }
0xe: {  	v0 =	vlaneseq.u32;
	s30 =	sadd.s32 $0x0, s6  }
0xf: {  	v2 =	vmov s30;
	v3 =	vor.u32 s30, v0;
	v4 =	vshll.u32 v1, $0x2  }
0x10: {  	v2 =	vshrl.u32 v2, $0x7;
	v1 =	vshll.u32 v1, $0x7;
	v4 =	vand.u32 $0x3FFFE0, v4  }
0x11: {  	s31 =	sand.u32 $0x200, s5;
	v3 =	vand.u32 $0x7F, v3;
	v1 =	vand.u32 $0x380, v1;
	v2 =	vadd.s32 v2, v4  }
0x12: {  	s8 =	sand.u32 $0x70, s5;
	s9 =	sshrl.u32 s31, $0x2;
	v1 =	vor.u32 v1, v3;
	v2 =	vshll.u32 v2, $0xA  }
0x13: {  	s3 =	sadd.s32 $0x800, s7;
	s10 =	sor.u32 s8, s9;
	v1 =	vor.u32 v1, v2  }
0x14: {  	s7 =	simm.s32 $0x40;
	s9 =	simm.s32 $0x10;
	s8 =	simm.s32 $0x80;
	[tilespmem:s10+$0x100] =	vst v1  }
.LBB2_1:
0x15: {  	p0 =	sne.s32 s8, $0x3C0;
	v1 =	vld [tilespmem:s9+$0x0];
	_ =	sdelay $0x2  }
0x16: {  	s5 =	sadd.s32 $0x10, s5  }
0x17: {  	s9 =	sadd.s32 s5, s6  }
0x18: {  	v2 =	vmov s9;
	v3 =	vor.u32 s9, v0;
	v4 =	vshll.u32 v1, $0x2  }
.Ltmp0:
0x19: {  	v2 =	vshrl.u32 v2, $0x7;
	v1 =	vshll.u32 v1, $0x7;
	v4 =	vand.u32 $0x3FFFE0, v4;
	(pc) =	sbr.rel @p0 .LBB2_1-.Ltmp0, $4  }
0x1a: {  	s9 =	sand.u32 $0x200, s7;
	s7 =	smov.u32 s8;
	v3 =	vand.u32 $0x7F, v3;
	v1 =	vand.u32 $0x380, v1;
	v2 =	vadd.s32 v2, v4  }
0x1b: {  	s10 =	sand.u32 $0x70, s5;
	s9 =	sshrl.u32 s9, $0x2;
	v1 =	vor.u32 v1, v3;
	v2 =	vshll.u32 v2, $0xA  }
0x1c: {  	s10 =	sor.u32 s10, s9;
	v1 =	vor.u32 v1, v2  }
0x1d: {  	s8 =	sadd.s32 $0x40, s8;
	s9 =	sshra.s32 s7, $0x2;
	[tilespmem:s10+$0x100] =	vst v1  }
0x1e: {  	v1 =	vld [tilespmem:s9+$0x0];
	_ =	sdelay $0x2  }
0x1f: {  	s5 =	sadd.s32 $0x10, s5  }
0x20: {  	s6 =	sadd.s32 s5, s6  }
0x21: {  	v2 =	vmov s6;
	v0 =	vor.u32 s6, v0;
	v3 =	vshll.u32 v1, $0x2  }
0x22: {  	v2 =	vshrl.u32 v2, $0x7;
	v1 =	vshll.u32 v1, $0x7;
	v3 =	vand.u32 $0x3FFFE0, v3  }
0x23: {  	s20 =	sand.u32 $0x200, s7;
	v0 =	vand.u32 $0x7F, v0;
	v1 =	vand.u32 $0x380, v1;
	v2 =	vadd.s32 v2, v3  }
0x24: {  	s5 =	sand.u32 $0x70, s5;
	s6 =	sshrl.u32 s20, $0x2;
	v0 =	vor.u32 v1, v0;
	v47 =	vshll.u32 v2, $0xA  }
0x25: {  	s5 =	sor.u32 s5, s6;
	v0 =	vor.u32 v0, v47  }
0x26: {  	s21 =	simm.s32 $0x80;
	s22 =	simm.s32 $0x100;
	s23 =	simm.s32 $0x200;
	[tilespmem:s5+$0x100] =	vst v0  }
0x27: {  	[tilespmem:s23], [sflag:$0x1] =	stream.indirect.gather [hbm4b:s4+s21], $0x1, s22, s21, $0xb8;
	[tilespmem:$0xB80] =	vst v63  }
0x28: {  	s24 =	simm.s32 $0x180;
	s25 =	simm.s32 $0x280;
	s26 =	simm.s32 $0x1  }
0x29: {  	[tilespmem:s25], [sflag:$0x1] =	stream.indirect.gather [hbm4b:s4+s21], $0x1, s24, s21, $0xb8;
	[tilespmem:$0xB80] =	vst v63  }
0x2a: {  	_ =	swait.ge [sflag:s26], $0x80  }
0x2b: {  	[sflag:s26] =	ssyncset.done $0x0  }
0x2c: {  	[sflag:s26] =	ssyncadd.s32 $0xFFFFFF80  }
0x2d: {  	_ =	swait.ge [sflag:s26], $0x80  }
0x2e: {  	[sflag:s26] =	ssyncset.done $0x0  }
0x2f: {  	[sflag:s26] =	ssyncadd.s32 $0xFFFFFF80  }
0x30: {  	v48 =	vld [tilespmem:$0x200];
	_ =	sdelay $0x1  }
0x31: {  	v49 =	vld [tilespmem:$0x210];
	_ =	sdelay $0x1  }
0x32: {  	v50 =	vld [tilespmem:$0x220]  }
0x33: {  	v0 =	vadd.f32 $0.0e+00, v48  }
0x34: {  	v51 =	vld [tilespmem:$0x230]  }
0x35: {  	v0 =	vadd.f32 v49, v0  }
0x36: {  	v52 =	vld [tilespmem:$0x240]  }
0x37: {  	v0 =	vadd.f32 v50, v0  }
0x38: {  	v53 =	vld [tilespmem:$0x250]  }
0x39: {  	v0 =	vadd.f32 v51, v0  }
0x3a: {  	v54 =	vld [tilespmem:$0x260]  }
0x3b: {  	v0 =	vadd.f32 v52, v0  }
0x3c: {  	v55 =	vld [tilespmem:$0x270]  }
0x3d: {  	v0 =	vadd.f32 v53, v0  }
0x3e: {  	v56 =	vld [tilespmem:$0x280]  }
0x3f: {  	v0 =	vadd.f32 v54, v0  }
0x40: {  	v57 =	vld [tilespmem:$0x290]  }
0x41: {  	v0 =	vadd.f32 v55, v0  }
0x42: {  	v58 =	vld [tilespmem:$0x2A0]  }
0x43: {  	v0 =	vadd.f32 v56, v0  }
0x44: {  	v59 =	vld [tilespmem:$0x2B0]  }
0x45: {  	v0 =	vadd.f32 v57, v0  }
0x46: {  	v60 =	vld [tilespmem:$0x2C0]  }
0x47: {  	v0 =	vadd.f32 v58, v0  }
0x48: {  	v61 =	vld [tilespmem:$0x2D0]  }
0x49: {  	v0 =	vadd.f32 v59, v0  }
0x4a: {  	v62 =	vld [tilespmem:$0x2E0]  }
0x4b: {  	v0 =	vadd.f32 v60, v0  }
0x4c: {  	v63 =	vld [tilespmem:$0x2F0]  }
0x4d: {  	v0 =	vadd.f32 v61, v0;
	_ =	sdelay $0x1  }
0x4e: {  	v0 =	vadd.f32 v62, v0;
	_ =	sdelay $0x1  }
0x4f: {  	v0 =	vadd.f32 v63, v0  }
0x50: {  	s28 =	sshll.u32 s2, $0x4;
	s29 =	simm.s32 $0x0  }
0x51: {  	s30 =	simm.s32 $0x300;
	s31 =	simm.s32 $0x2;
	s4 =	sadd.s32 s3, s28;
	[tilespmem:$0x300] =	vst v0  }
0x52: {  	[hbm4b:s4+s29] =	stream.linear.scatter [tilespmem:s30], [sflag:$0x2], $0x80, $0x38;
	[tilespmem:$0xB80] =	vst v63  }
0x53: {  	_ =	swait.ge [sflag:s31], $0x80  }
0x54: {  	[sflag:s31] =	ssyncset.done $0x0  }
0x55: {  	[sflag:s31] =	ssyncadd.s32 $0xFFFFFF80  }
0x56: {  	p0 =	sne.s32 s2, $0x0;
	[bflag:$0x0] =	sbarrier.arrive $0xFFFF  }
0x57: {  	_ =	sfence.sel @p0 $0x180000  }
0x58: {  	[bflag:$0x0] =	sbarrier.arrive @p0 $0xFFFF  }
0x59: {  	_ =	strace @p0 $0x90000047  }
0x5a: {  	s2 =	simm.s32 @!p0 $0x0;
	s4 =	simm.s32 @!p0 $0x380;
	[bflag:$0x2] =	sbarrier.arrive @p0 $0xFFFF  }
0x5b: {  	[tilespmem:s4], [sflag:$0x2] =	stream.linear.gather @!p0 [hbm4b:s3+s2], $0x800, $0x38;
	[tilespmem:$0xB80] =	vst v63  }
0x5c: {  	s3 =	simm.s32 @!p0 $0x2  }
0x5d: {  	_ =	swait.ge @!p0 [sflag:s3], $0x800  }
0x5e: {  	[sflag:s3] =	ssyncset.done @!p0 $0x0  }
0x5f: {  	[sflag:s3] =	ssyncadd.s32 @!p0 $0xFFFFF800  }
0x60: {  	v0 =	vld @!p0 [tilespmem:$0x380];
	_ =	sdelay $0x1  }
0x61: {  	v1 =	vld @!p0 [tilespmem:$0x400];
	_ =	sdelay $0x1  }
0x62: {  	v2 =	vld @!p0 [tilespmem:$0x480]  }
0x63: {  	v0 =	vadd.f32 @!p0 $0.0e+00, v0  }
0x64: {  	v3 =	vld @!p0 [tilespmem:$0x500]  }
0x65: {  	v0 =	vadd.f32 @!p0 v1, v0  }
0x66: {  	v1 =	vld @!p0 [tilespmem:$0x580]  }
0x67: {  	v0 =	vadd.f32 @!p0 v2, v0  }
0x68: {  	v2 =	vld @!p0 [tilespmem:$0x600]  }
0x69: {  	v0 =	vadd.f32 @!p0 v3, v0  }
0x6a: {  	v3 =	vld @!p0 [tilespmem:$0x680]  }
0x6b: {  	v0 =	vadd.f32 @!p0 v1, v0  }
0x6c: {  	v1 =	vld @!p0 [tilespmem:$0x700]  }
0x6d: {  	v0 =	vadd.f32 @!p0 v2, v0  }
0x6e: {  	v2 =	vld @!p0 [tilespmem:$0x780]  }
0x6f: {  	v0 =	vadd.f32 @!p0 v3, v0  }
0x70: {  	v3 =	vld @!p0 [tilespmem:$0x800]  }
0x71: {  	v0 =	vadd.f32 @!p0 v1, v0  }
0x72: {  	v1 =	vld @!p0 [tilespmem:$0x880]  }
0x73: {  	v0 =	vadd.f32 @!p0 v2, v0  }
0x74: {  	v2 =	vld @!p0 [tilespmem:$0x900]  }
0x75: {  	v0 =	vadd.f32 @!p0 v3, v0  }
0x76: {  	v3 =	vld @!p0 [tilespmem:$0x980]  }
0x77: {  	v0 =	vadd.f32 @!p0 v1, v0  }
0x78: {  	v1 =	vld @!p0 [tilespmem:$0xA00]  }
0x79: {  	v0 =	vadd.f32 @!p0 v2, v0  }
0x7a: {  	v2 =	vld @!p0 [tilespmem:$0xA80]  }
0x7b: {  	v0 =	vadd.f32 @!p0 v3, v0  }
0x7c: {  	v3 =	vld @!p0 [tilespmem:$0xB00]  }
0x7d: {  	v0 =	vadd.f32 @!p0 v1, v0;
	_ =	sdelay $0x1  }
0x7e: {  	v0 =	vadd.f32 @!p0 v2, v0;
	_ =	sdelay $0x1  }
0x7f: {  	v0 =	vadd.f32 @!p0 v3, v0;
	_ =	sdelay $0x1  }
0x80: {  	(xrf2) =	vadd.scan.msk.f32 @!p0 $0xffff, v0;
	_ =	sdelay $0x9  }
0x81: {  	v0, _, _ =	vpop @!p0 (xrf2)  }
0x82: {  	(v2sf) =	vpush @!p0 v0, $0xF;
	_ =	sdelay $0xe  }
0x83: {  	s4 =	spop @!p0 (v2sf)  }
0x84: {  	s4 =	smul.f32 @!p0 $-2.441406250e-04, s4;
	_ =	sdelay $0x1  }
0x85: {  	v0 =	vmov @!p0 s4  }
0x86: {  	s4 =	simm.s32 @!p0 $0x300;
	[tilespmem:$0x300] =	vst @!p0 v0  }
0x87: {  	[hbm4b:s1+s2] =	stream.linear.scatter @!p0 [tilespmem:s4], [sflag:$0x2], $0x80, $0x38;
	[tilespmem:$0xB80] =	vst v63  }
0x88: {  	_ =	swait.ge @!p0 [sflag:s3], $0x80  }
0x89: {  	[sflag:s3] =	ssyncset.done @!p0 $0x0  }
0x8a: {  	[sflag:s3] =	ssyncadd.s32 @!p0 $0xFFFFFF80  }
0x8b: {  	_ =	sfence.sel @!p0 $0x180000  }
0x8c: {  	[bflag:$0x0] =	sbarrier.arrive @!p0 $0xFFFF  }
0x8d: {  	_ =	strace @!p0 $0x90000047  }
0x8e: {  	s0 =	sadd.s32 @!p0 $0x100000, s0;
	[bflag:$0x2] =	sbarrier.arrive @!p0 $0xFFFF  }
0x8f: {  	[sflag:s0] =	ssyncadd.tile.s32 @!p0 $0x1;
	_ =	shalt  }
.Lfunc_end2:
_tile_overlayer_lowered:
.L_overlay_start_2:
0x90: {  	(tag) =	ssettag $0x2  }
0x91: {  	s0 =	rddreg [dreg:$0x0];
	s2 =	stileid.u32  }
0x92: {  	s1 =	rddreg [dreg:$0x1];
	p0 =	sne.s32 s2, $0x0  }
0x93: {  	s3 =	rddreg [dreg:$0x2];
	[bflag:$0x3] =	sbarrier.arrive $0xFFFF;
	s2 =	simm.s32 @!p0 $0x1C02  }
0x94: {  	[timem:s3], [sflag:s2] =	dma.local @!p0 [hbm:s0], s1  }
0x95: {  	s0 =	simm.s32 @!p0 $0x2  }
0x96: {  	_ =	swait.ge @!p0 [sflag:s0], s1  }
0x97: {  	s1 =	ssub.s32 @!p0 $0x0, s1;
	[sflag:s0] =	ssyncset.done @!p0 $0x0  }
0x98: {  	[sflag:s0] =	ssyncadd.s32 @!p0 s1  }
0x99: {  	[bflag:$0x3] =	sbarrier.arrive $0xFFFF  }
0x9a: {  	_ =	shalt  }

</sc_bundles>
